<compile_context>
chip_gen: v7x
topology: tpu7x:2x2x1
jax: 0.10.2.dev20260603
libtpu: 0.0.44.dev20260713+nightly
codegen_flags: <defaults>
</compile_context>

<pallas_src>
import functools

import jax
import jax.numpy as jnp
from jax import lax
from jax.experimental import pallas as pl
from jax.experimental.pallas import tpu as pltpu
from jax.experimental.pallas import tpu_sc as plsc

N = 10000
E = 320000
D = 128
TW = 144
N_PAD = 10240
NC = 2
NS = 16
NW = NC * NS
CB = 64
CHUNKS = 160
E_PAD = NW * CHUNKS * CB
ZROWS = N_PAD // NS


def _node_proj_body(x_ref, lw_ref, lb_ref, gw_ref, gb_ref, h_ref, g_ref):
    xb = x_ref[...]
    h_ref[...] = lax.dot_general(
        xb, lw_ref[...], (((1,), (1,)), ((), ())),
        preferred_element_type=jnp.float32) + lb_ref[...]
    g_ref[...] = jnp.sum(xb * gw_ref[...], axis=1, keepdims=True) + gb_ref[0, 0]


def _node_proj(x, lin_w, lin_b, gate_w, gate_b):
    grid = (10,)
    bn = N // 10
    return pl.pallas_call(
        _node_proj_body,
        grid=grid,
        in_specs=[
            pl.BlockSpec((bn, D), lambda i: (i, 0)),
            pl.BlockSpec((D, D), lambda i: (0, 0)),
            pl.BlockSpec((1, D), lambda i: (0, 0)),
            pl.BlockSpec((1, D), lambda i: (0, 0)),
            pl.BlockSpec((1, 1), lambda i: (0, 0)),
        ],
        out_specs=[
            pl.BlockSpec((bn, D), lambda i: (i, 0)),
            pl.BlockSpec((bn, 1), lambda i: (i, 0)),
        ],
        out_shape=[
            jax.ShapeDtypeStruct((N, D), jnp.float32),
            jax.ShapeDtypeStruct((N, 1), jnp.float32),
        ],
    )(x, lin_w, lin_b.reshape(1, D), gate_w, gate_b.reshape(1, 1))


def _table_body(h_ref, g_ref, gmax_ref, t_ref):
    i = pl.program_id(0)
    bn = t_ref.shape[0]
    h = h_ref[...]
    g = g_ref[...]
    rowid = i * bn + lax.broadcasted_iota(jnp.int32, (bn, 1), 0)
    valid = rowid < N
    w = jnp.where(valid, jnp.exp(g - gmax_ref[0, 0]), 0.0)
    hw = jnp.where(valid, h * w, 0.0)
    wcol = jnp.concatenate(
        [w, jnp.zeros((bn, TW - D - 1), jnp.float32)], axis=1)
    t_ref[...] = jnp.concatenate([hw, wcol], axis=1)


def _build_table(h, g, gmax):
    grid = (10,)
    bn = N_PAD // 10
    return pl.pallas_call(
        _table_body,
        grid=grid,
        in_specs=[
            pl.BlockSpec((bn, D), lambda i: (i, 0)),
            pl.BlockSpec((bn, 1), lambda i: (i, 0)),
            pl.BlockSpec((1, 1), lambda i: (0, 0)),
        ],
        out_specs=pl.BlockSpec((bn, TW), lambda i: (i, 0)),
        out_shape=jax.ShapeDtypeStruct((N_PAD, TW), jnp.float32),
    )(h, g, gmax)


def _sc_body(t_hbm, col_hbm, row_hbm, z_hbm, out_hbm,
             col_v, row_v, rows_a, rows_b, acc, gsa, gsb):
    c = lax.axis_index("c")
    s = lax.axis_index("s")
    w = s * NC + c
    pltpu.sync_copy(z_hbm, acc.at[pl.ds(s * ZROWS, ZROWS), :])
    pltpu.sync_copy(col_hbm.at[w], col_v)
    pltpu.sync_copy(row_hbm.at[w], row_v)
    plsc.subcore_barrier()

    pltpu.async_copy(t_hbm.at[col_v.at[0]], rows_a, gsa)

    def body(jj, carry):
        base = jj * 2
        pltpu.sync_copy(rows_a, acc.at[row_v.at[base]], add=True)
        pltpu.sync_copy(rows_b, acc.at[row_v.at[base + 1]], add=True)
        return carry

    lax.fori_loop(0, CHUNKS // 2, body, 0)
    pltpu.make_async_copy(t_hbm.at[col_v.at[CHUNKS - 1]], rows_a, gsa).wait()
    plsc.subcore_barrier()
    pltpu.sync_copy(acc.at[pl.ds(s * ZROWS, ZROWS), :],
                    out_hbm.at[c, pl.ds(s * ZROWS, ZROWS), :])


def _sc_edge_aggr(table, col3, row3, zeros):
    mesh = plsc.VectorSubcoreMesh(core_axis_name="c", subcore_axis_name="s")
    fn = pl.kernel(
        _sc_body,
        out_type=jax.ShapeDtypeStruct((NC, N_PAD, TW), jnp.float32),
        mesh=mesh,
        scratch_types=[
            pltpu.VMEM((CHUNKS, CB), jnp.int32),
            pltpu.VMEM((CHUNKS, CB), jnp.int32),
            pltpu.VMEM((CB, TW), jnp.float32),
            pltpu.VMEM((CB, TW), jnp.float32),
            pltpu.VMEM_SHARED((N_PAD, TW), jnp.float32),
            pltpu.SemaphoreType.DMA,
            pltpu.SemaphoreType.DMA,
        ],
        compiler_params=pltpu.CompilerParams(use_tc_tiling_on_sc=False),
    )
    return fn(table, col3, row3, zeros)


def _out_body(acc_ref, ow_ref, ob_ref, o_ref):
    a = acc_ref[...]
    ssum = a[0] + a[1]
    num = ssum[:, :D]
    den = jnp.sum(ssum[:, D:], axis=1, keepdims=True)
    y = num / (den + 1e-16)
    o_ref[...] = lax.dot_general(
        y, ow_ref[...], (((1,), (1,)), ((), ())),
        preferred_element_type=jnp.float32) + ob_ref[...]


def _proj_out(acc2, out_w, out_b):
    grid = (10,)
    bn = N // 10
    return pl.pallas_call(
        _out_body,
        grid=grid,
        in_specs=[
            pl.BlockSpec((NC, bn, TW), lambda i: (0, i, 0)),
            pl.BlockSpec((D, D), lambda i: (0, 0)),
            pl.BlockSpec((1, D), lambda i: (0, 0)),
        ],
        out_specs=pl.BlockSpec((bn, D), lambda i: (i, 0)),
        out_shape=jax.ShapeDtypeStruct((N, D), jnp.float32),
    )(acc2, out_w, out_b.reshape(1, D))


def kernel(x, edge_index, batch, lin_w, lin_b, gate_w, gate_b, out_w, out_b):
    del batch
    row = edge_index[0].astype(jnp.int32)
    col = edge_index[1].astype(jnp.int32)
    pad = E_PAD - E
    colp = jnp.concatenate(
        [col, jnp.full((pad,), N, jnp.int32)]).reshape(NW, CHUNKS, CB)
    rowp = jnp.concatenate(
        [row, jnp.full((pad,), N, jnp.int32)]).reshape(NW, CHUNKS, CB)

    h, g = _node_proj(x, lin_w, lin_b, gate_w, gate_b)
    gmax = jnp.max(g).reshape(1, 1)
    table = _build_table(h, g, gmax)
    zeros = jnp.zeros((ZROWS, TW), jnp.float32)
    acc2 = _sc_edge_aggr(table, colp, rowp, zeros)
    return _proj_out(acc2, out_w, out_b)

# --- scband reference (transcript-rebuilt; emitter-appended) ---
"""Pipeline reference for scband-custom-attention-layer-25271587570312 (READ-ONLY COPY).

The authoritative reference and input builder live on the scoring server;
editing this copy changes nothing except your own understanding.
"""

import jax, jax.numpy as jnp
import numpy as np

N_NODES = 10000
N_EDGES = 320000
D_IN = 128
D_OUT = 128


def setup_inputs(seed: int = 0) -> dict:
    key = jax.random.key(seed)
    ks = jax.random.split(key, 10)
    x = jax.random.normal(ks[0], (N_NODES, D_IN), dtype=jnp.float32)
    edge_index = jax.random.randint(ks[1], (2, N_EDGES), 0, N_NODES, dtype=jnp.int64)
    batch = jnp.sort(jax.random.randint(ks[2], (N_NODES,), 0, 16, dtype=jnp.int64))
    s_in = 1.0 / np.sqrt(D_IN)
    s_out = 1.0 / np.sqrt(D_OUT)
    lin_w = jax.random.uniform(ks[3], (D_OUT, D_IN), jnp.float32, -s_in, s_in)
    lin_b = jax.random.uniform(ks[4], (D_OUT,), jnp.float32, -s_in, s_in)
    gate_w = jax.random.uniform(ks[5], (1, D_IN), jnp.float32, -s_in, s_in)
    gate_b = jax.random.uniform(ks[6], (1,), jnp.float32, -s_in, s_in)
    out_w = jax.random.uniform(ks[7], (D_OUT, D_OUT), jnp.float32, -s_out, s_out)
    out_b = jax.random.uniform(ks[8], (D_OUT,), jnp.float32, -s_out, s_out)
    return {"x": x, "edge_index": edge_index, "batch": batch,
            "lin_w": lin_w, "lin_b": lin_b, "gate_w": gate_w, "gate_b": gate_b,
            "out_w": out_w, "out_b": out_b}


def reference(x, edge_index, batch, lin_w, lin_b, gate_w, gate_b, out_w, out_b):
    # batch is accepted but unused, matching the torch forward.
    row = edge_index[0]
    col = edge_index[1]
    N = x.shape[0]
    # gather messages from source nodes
    messages = jnp.take(x, col, axis=0)                      # [E, D_IN]
    # AttentionalAggregation: gate = gate_nn(messages), h = nn(messages)
    gate = messages @ gate_w.T + gate_b                      # [E, 1]
    h = messages @ lin_w.T + lin_b                           # [E, D_OUT]
    # segment softmax of gate over destination index `row` (PyG softmax)
    seg_max = jax.ops.segment_max(gate, row, num_segments=N) # [N, 1]
    gate_centered = gate - jnp.take(seg_max, row, axis=0)
    egate = jnp.exp(gate_centered)
    denom = jax.ops.segment_sum(egate, row, num_segments=N)  # [N, 1]
    attn = egate / (jnp.take(denom, row, axis=0) + 1e-16)    # [E, 1]
    # weighted scatter-add aggregation
    aggr = jax.ops.segment_sum(attn * h, row, num_segments=N)  # [N, D_OUT]
    # output projection
    return aggr @ out_w.T + out_b

if __name__ == "__main__":
    import jax
    _d = setup_inputs()
    print(jax.jit(kernel)(*tuple(_d.values())))

</pallas_src>

<mosaic_0001>
#map = affine_map<(d0, d1) -> (0, 0)>
#map1 = affine_map<(d0, d1) -> (0, 0, 0)>
module attributes {stable_mosaic.version = 14 : i64} {
  func.func @_sc_body(%arg0: i32, %arg1: i32, %arg2: memref<10240x144xf32, #tpu.memory_space<hbm>>, %arg3: memref<32x160x64xi32, #tpu.memory_space<hbm>>, %arg4: memref<32x160x64xi32, #tpu.memory_space<hbm>>, %arg5: memref<640x144xf32, #tpu.memory_space<hbm>>, %arg6: memref<2x10240x144xf32, #tpu.memory_space<hbm>>, %arg7: memref<160x64xi32, #tpu.memory_space<vmem>>, %arg8: memref<160x64xi32, #tpu.memory_space<vmem>>, %arg9: memref<64x144xf32, #tpu.memory_space<vmem>>, %arg10: memref<64x144xf32, #tpu.memory_space<vmem>>, %arg11: memref<10240x144xf32, #tpu.memory_space<vmem_shared>>, %arg12: memref<!tpu.dma_semaphore, #tpu.memory_space<semaphore_mem>>, %arg13: memref<!tpu.dma_semaphore, #tpu.memory_space<semaphore_mem>>) attributes {dimension_semantics = [#tpu.dimension_semantics<core_parallel>, #tpu.dimension_semantics<subcore_parallel>], iteration_bounds = array<i64: 2, 16>, scalar_prefetch = 0 : i64, scratch_operands = 7 : i64, tpu.core_type = #tpu.core_type<sc_vector_subcore>, window_params = [{transform_indices = #map}, {transform_indices = #map1}, {transform_indices = #map1}, {transform_indices = #map}, {transform_indices = #map1}]} {
    %mul3A = arith.constant 2 : i32
    %mul3A_0 = arith.muli %arg1, %mul3A : i32
    %add3A = arith.addi %mul3A_0, %arg0 : i32
    %mul3A_1 = arith.constant 640 : i32
    %mul3A_2 = arith.muli %arg1, %mul3A_1 : i32
    "tpu.region"() ({
      %run_scoped3A = tpu.sem_alloc : memref<!tpu.dma_semaphore, #tpu.memory_space<semaphore_mem>>
      %dma_start3A_25 = arith.constant 0 : i32
      %dma_start3A_26 = tpu.memref_slice %arg11[%mul3A_2, %dma_start3A_25] : memref<10240x144xf32, #tpu.memory_space<vmem_shared>> -> memref<640x144xf32, #tpu.memory_space<vmem_shared>>
      tpu.enqueue_dma source(%arg5 : memref<640x144xf32, #tpu.memory_space<hbm>>) target(%dma_start3A_26 : memref<640x144xf32, #tpu.memory_space<vmem_shared>>) target_semaphore(%run_scoped3A : memref<!tpu.dma_semaphore, #tpu.memory_space<semaphore_mem>>)
      %dma_wait3A_27 = arith.constant 0 : i32
      %dma_wait3A_28 = tpu.memref_slice %arg11[%mul3A_2, %dma_wait3A_27] : memref<10240x144xf32, #tpu.memory_space<vmem_shared>> -> memref<640x144xf32, #tpu.memory_space<vmem_shared>>
      tpu.wait_dma2 semaphore(%run_scoped3A : memref<!tpu.dma_semaphore, #tpu.memory_space<semaphore_mem>>) src(%arg5 : memref<640x144xf32, #tpu.memory_space<hbm>>) dst(%dma_wait3A_28 : memref<640x144xf32, #tpu.memory_space<vmem_shared>>)
      tpu.yield
    }) : () -> ()
    "tpu.region"() ({
      %run_scoped3A = tpu.sem_alloc : memref<!tpu.dma_semaphore, #tpu.memory_space<semaphore_mem>>
      %dma_start3A_25 = arith.constant 0 : i32
      %dma_start3A_26 = arith.constant 0 : i32
      %dma_start3A_27 = tpu.memref_slice %arg3[%add3A, %dma_start3A_25, %dma_start3A_26] : memref<32x160x64xi32, #tpu.memory_space<hbm>> -> memref<1x160x64xi32, #tpu.memory_space<hbm>>
      %dma_start3A_28 = tpu.memref_squeeze %dma_start3A_27 : memref<1x160x64xi32, #tpu.memory_space<hbm>> -> memref<160x64xi32, #tpu.memory_space<hbm>>
      %dma_start3A_29 = arith.constant 0 : i32
      %dma_start3A_30 = arith.constant 0 : i32
      %dma_start3A_31 = tpu.memref_slice %arg3[%add3A, %dma_start3A_29, %dma_start3A_30] : memref<32x160x64xi32, #tpu.memory_space<hbm>> -> memref<1x160x64xi32, #tpu.memory_space<hbm>>
      %dma_start3A_32 = tpu.memref_squeeze %dma_start3A_31 : memref<1x160x64xi32, #tpu.memory_space<hbm>> -> memref<160x64xi32, #tpu.memory_space<hbm>>
      tpu.enqueue_dma source(%dma_start3A_32 : memref<160x64xi32, #tpu.memory_space<hbm>>) target(%arg7 : memref<160x64xi32, #tpu.memory_space<vmem>>) target_semaphore(%run_scoped3A : memref<!tpu.dma_semaphore, #tpu.memory_space<semaphore_mem>>)
      %dma_wait3A_33 = arith.constant 0 : i32
      %dma_wait3A_34 = arith.constant 0 : i32
      %dma_wait3A_35 = tpu.memref_slice %arg3[%add3A, %dma_wait3A_33, %dma_wait3A_34] : memref<32x160x64xi32, #tpu.memory_space<hbm>> -> memref<1x160x64xi32, #tpu.memory_space<hbm>>
      %dma_wait3A_36 = tpu.memref_squeeze %dma_wait3A_35 : memref<1x160x64xi32, #tpu.memory_space<hbm>> -> memref<160x64xi32, #tpu.memory_space<hbm>>
      %dma_wait3A_37 = arith.constant 0 : i32
      %dma_wait3A_38 = arith.constant 0 : i32
      %dma_wait3A_39 = tpu.memref_slice %arg3[%add3A, %dma_wait3A_37, %dma_wait3A_38] : memref<32x160x64xi32, #tpu.memory_space<hbm>> -> memref<1x160x64xi32, #tpu.memory_space<hbm>>
      %dma_wait3A_40 = tpu.memref_squeeze %dma_wait3A_39 : memref<1x160x64xi32, #tpu.memory_space<hbm>> -> memref<160x64xi32, #tpu.memory_space<hbm>>
      tpu.wait_dma2 semaphore(%run_scoped3A : memref<!tpu.dma_semaphore, #tpu.memory_space<semaphore_mem>>) src(%dma_wait3A_40 : memref<160x64xi32, #tpu.memory_space<hbm>>) dst(%arg7 : memref<160x64xi32, #tpu.memory_space<vmem>>)
      tpu.yield
    }) : () -> ()
    "tpu.region"() ({
      %run_scoped3A = tpu.sem_alloc : memref<!tpu.dma_semaphore, #tpu.memory_space<semaphore_mem>>
      %dma_start3A_25 = arith.constant 0 : i32
      %dma_start3A_26 = arith.constant 0 : i32
      %dma_start3A_27 = tpu.memref_slice %arg4[%add3A, %dma_start3A_25, %dma_start3A_26] : memref<32x160x64xi32, #tpu.memory_space<hbm>> -> memref<1x160x64xi32, #tpu.memory_space<hbm>>
      %dma_start3A_28 = tpu.memref_squeeze %dma_start3A_27 : memref<1x160x64xi32, #tpu.memory_space<hbm>> -> memref<160x64xi32, #tpu.memory_space<hbm>>
      %dma_start3A_29 = arith.constant 0 : i32
      %dma_start3A_30 = arith.constant 0 : i32
      %dma_start3A_31 = tpu.memref_slice %arg4[%add3A, %dma_start3A_29, %dma_start3A_30] : memref<32x160x64xi32, #tpu.memory_space<hbm>> -> memref<1x160x64xi32, #tpu.memory_space<hbm>>
      %dma_start3A_32 = tpu.memref_squeeze %dma_start3A_31 : memref<1x160x64xi32, #tpu.memory_space<hbm>> -> memref<160x64xi32, #tpu.memory_space<hbm>>
      tpu.enqueue_dma source(%dma_start3A_32 : memref<160x64xi32, #tpu.memory_space<hbm>>) target(%arg8 : memref<160x64xi32, #tpu.memory_space<vmem>>) target_semaphore(%run_scoped3A : memref<!tpu.dma_semaphore, #tpu.memory_space<semaphore_mem>>)
      %dma_wait3A_33 = arith.constant 0 : i32
      %dma_wait3A_34 = arith.constant 0 : i32
      %dma_wait3A_35 = tpu.memref_slice %arg4[%add3A, %dma_wait3A_33, %dma_wait3A_34] : memref<32x160x64xi32, #tpu.memory_space<hbm>> -> memref<1x160x64xi32, #tpu.memory_space<hbm>>
      %dma_wait3A_36 = tpu.memref_squeeze %dma_wait3A_35 : memref<1x160x64xi32, #tpu.memory_space<hbm>> -> memref<160x64xi32, #tpu.memory_space<hbm>>
      %dma_wait3A_37 = arith.constant 0 : i32
      %dma_wait3A_38 = arith.constant 0 : i32
      %dma_wait3A_39 = tpu.memref_slice %arg4[%add3A, %dma_wait3A_37, %dma_wait3A_38] : memref<32x160x64xi32, #tpu.memory_space<hbm>> -> memref<1x160x64xi32, #tpu.memory_space<hbm>>
      %dma_wait3A_40 = tpu.memref_squeeze %dma_wait3A_39 : memref<1x160x64xi32, #tpu.memory_space<hbm>> -> memref<160x64xi32, #tpu.memory_space<hbm>>
      tpu.wait_dma2 semaphore(%run_scoped3A : memref<!tpu.dma_semaphore, #tpu.memory_space<semaphore_mem>>) src(%dma_wait3A_40 : memref<160x64xi32, #tpu.memory_space<hbm>>) dst(%arg8 : memref<160x64xi32, #tpu.memory_space<vmem>>)
      tpu.yield
    }) : () -> ()
    %barrier3A = arith.constant 0 : index
    tpu.barrier barrier_id(%barrier3A)
    %dma_start3A = arith.constant 0 : i32
    %dma_start3A_3 = arith.constant 0 : i32
    %dma_start3A_4 = tpu.memref_slice %arg7[%dma_start3A, %dma_start3A_3] : memref<160x64xi32, #tpu.memory_space<vmem>> -> memref<1x64xi32, #tpu.memory_space<vmem>>
    %dma_start3A_5 = tpu.memref_squeeze %dma_start3A_4 : memref<1x64xi32, #tpu.memory_space<vmem>> -> memref<64xi32, #tpu.memory_space<vmem>>
    %dma_start3A_6 = arith.constant 0 : i32
    %dma_start3A_7 = arith.constant 0 : i32
    %dma_start3A_8 = tpu.memref_slice %arg2[%dma_start3A_6, %dma_start3A_7] : memref<10240x144xf32, #tpu.memory_space<hbm>> -> memref<10240x144xf32, #tpu.memory_space<hbm>>
    tpu.enqueue_indirect_dma source(%dma_start3A_8 : memref<10240x144xf32, #tpu.memory_space<hbm>>) target(%arg9 : memref<64x144xf32, #tpu.memory_space<vmem>>) offsets(%dma_start3A_5 : memref<64xi32, #tpu.memory_space<vmem>>) semaphore(%arg12 : memref<!tpu.dma_semaphore, #tpu.memory_space<semaphore_mem>>)
    %scan3A = arith.constant 0 : i32
    %scan3A_9 = arith.constant 0 : i32
    %scan3A_10 = arith.constant 80 : i32
    %scan3A_11 = arith.addi %scan3A_9, %scan3A_10 : i32
    %scan3A_12 = arith.constant 1 : i32
    scf.for %scan3A_25 = %scan3A_9 to %scan3A_11 step %scan3A_12  : i32 {
      %mul3A_26 = arith.constant 2 : i32
      %mul3A_27 = arith.muli %scan3A_25, %mul3A_26 : i32
      "tpu.region"() ({
        %run_scoped3A = tpu.sem_alloc : memref<!tpu.dma_semaphore, #tpu.memory_space<semaphore_mem>>
        %dma_start3A_30 = arith.constant 0 : i32
        %dma_start3A_31 = tpu.memref_slice %arg8[%mul3A_27, %dma_start3A_30] : memref<160x64xi32, #tpu.memory_space<vmem>> -> memref<1x64xi32, #tpu.memory_space<vmem>>
        %dma_start3A_32 = tpu.memref_squeeze %dma_start3A_31 : memref<1x64xi32, #tpu.memory_space<vmem>> -> memref<64xi32, #tpu.memory_space<vmem>>
        %dma_start3A_33 = arith.constant 0 : i32
        %dma_start3A_34 = arith.constant 0 : i32
        %dma_start3A_35 = tpu.memref_slice %arg11[%dma_start3A_33, %dma_start3A_34] : memref<10240x144xf32, #tpu.memory_space<vmem_shared>> -> memref<10240x144xf32, #tpu.memory_space<vmem_shared>>
        tpu.enqueue_indirect_dma source(%arg9 : memref<64x144xf32, #tpu.memory_space<vmem>>) target(%dma_start3A_35 : memref<10240x144xf32, #tpu.memory_space<vmem_shared>>) offsets(%dma_start3A_32 : memref<64xi32, #tpu.memory_space<vmem>>) semaphore(%run_scoped3A : memref<!tpu.dma_semaphore, #tpu.memory_space<semaphore_mem>>) {add = true}
        %dma_wait3A_36 = arith.constant 0 : i32
        %dma_wait3A_37 = tpu.memref_slice %arg8[%mul3A_27, %dma_wait3A_36] : memref<160x64xi32, #tpu.memory_space<vmem>> -> memref<1x64xi32, #tpu.memory_space<vmem>>
        %dma_wait3A_38 = tpu.memref_squeeze %dma_wait3A_37 : memref<1x64xi32, #tpu.memory_space<vmem>> -> memref<64xi32, #tpu.memory_space<vmem>>
        %dma_wait3A_39 = arith.constant 0 : i32
        %dma_wait3A_40 = arith.constant 0 : i32
        %dma_wait3A_41 = tpu.memref_slice %arg11[%dma_wait3A_39, %dma_wait3A_40] : memref<10240x144xf32, #tpu.memory_space<vmem_shared>> -> memref<10240x144xf32, #tpu.memory_space<vmem_shared>>
        tpu.wait_indirect_dma semaphore(%run_scoped3A : memref<!tpu.dma_semaphore, #tpu.memory_space<semaphore_mem>>) src(%arg9 : memref<64x144xf32, #tpu.memory_space<vmem>>) dst(%dma_wait3A_41 : memref<10240x144xf32, #tpu.memory_space<vmem_shared>>)
        tpu.yield
      }) : () -> ()
      %add3A_28 = arith.constant 1 : i32
      %add3A_29 = arith.addi %mul3A_27, %add3A_28 : i32
      "tpu.region"() ({
        %run_scoped3A = tpu.sem_alloc : memref<!tpu.dma_semaphore, #tpu.memory_space<semaphore_mem>>
        %dma_start3A_30 = arith.constant 0 : i32
        %dma_start3A_31 = tpu.memref_slice %arg8[%add3A_29, %dma_start3A_30] : memref<160x64xi32, #tpu.memory_space<vmem>> -> memref<1x64xi32, #tpu.memory_space<vmem>>
        %dma_start3A_32 = tpu.memref_squeeze %dma_start3A_31 : memref<1x64xi32, #tpu.memory_space<vmem>> -> memref<64xi32, #tpu.memory_space<vmem>>
        %dma_start3A_33 = arith.constant 0 : i32
        %dma_start3A_34 = arith.constant 0 : i32
        %dma_start3A_35 = tpu.memref_slice %arg11[%dma_start3A_33, %dma_start3A_34] : memref<10240x144xf32, #tpu.memory_space<vmem_shared>> -> memref<10240x144xf32, #tpu.memory_space<vmem_shared>>
        tpu.enqueue_indirect_dma source(%arg10 : memref<64x144xf32, #tpu.memory_space<vmem>>) target(%dma_start3A_35 : memref<10240x144xf32, #tpu.memory_space<vmem_shared>>) offsets(%dma_start3A_32 : memref<64xi32, #tpu.memory_space<vmem>>) semaphore(%run_scoped3A : memref<!tpu.dma_semaphore, #tpu.memory_space<semaphore_mem>>) {add = true}
        %dma_wait3A_36 = arith.constant 0 : i32
        %dma_wait3A_37 = tpu.memref_slice %arg8[%add3A_29, %dma_wait3A_36] : memref<160x64xi32, #tpu.memory_space<vmem>> -> memref<1x64xi32, #tpu.memory_space<vmem>>
        %dma_wait3A_38 = tpu.memref_squeeze %dma_wait3A_37 : memref<1x64xi32, #tpu.memory_space<vmem>> -> memref<64xi32, #tpu.memory_space<vmem>>
        %dma_wait3A_39 = arith.constant 0 : i32
        %dma_wait3A_40 = arith.constant 0 : i32
        %dma_wait3A_41 = tpu.memref_slice %arg11[%dma_wait3A_39, %dma_wait3A_40] : memref<10240x144xf32, #tpu.memory_space<vmem_shared>> -> memref<10240x144xf32, #tpu.memory_space<vmem_shared>>
        tpu.wait_indirect_dma semaphore(%run_scoped3A : memref<!tpu.dma_semaphore, #tpu.memory_space<semaphore_mem>>) src(%arg10 : memref<64x144xf32, #tpu.memory_space<vmem>>) dst(%dma_wait3A_41 : memref<10240x144xf32, #tpu.memory_space<vmem_shared>>)
        tpu.yield
      }) : () -> ()
    }
    %scan3A_13 = arith.constant 80 : i32
    %dma_wait3A = arith.constant 159 : i32
    %dma_wait3A_14 = arith.constant 0 : i32
    %dma_wait3A_15 = tpu.memref_slice %arg7[%dma_wait3A, %dma_wait3A_14] : memref<160x64xi32, #tpu.memory_space<vmem>> -> memref<1x64xi32, #tpu.memory_space<vmem>>
    %dma_wait3A_16 = tpu.memref_squeeze %dma_wait3A_15 : memref<1x64xi32, #tpu.memory_space<vmem>> -> memref<64xi32, #tpu.memory_space<vmem>>
    %dma_wait3A_17 = arith.constant 0 : i32
    %dma_wait3A_18 = arith.constant 0 : i32
    %dma_wait3A_19 = tpu.memref_slice %arg2[%dma_wait3A_17, %dma_wait3A_18] : memref<10240x144xf32, #tpu.memory_space<hbm>> -> memref<10240x144xf32, #tpu.memory_space<hbm>>
    tpu.wait_indirect_dma semaphore(%arg12 : memref<!tpu.dma_semaphore, #tpu.memory_space<semaphore_mem>>) src(%dma_wait3A_19 : memref<10240x144xf32, #tpu.memory_space<hbm>>) dst(%arg9 : memref<64x144xf32, #tpu.memory_space<vmem>>)
    %barrier3A_20 = arith.constant 0 : index
    tpu.barrier barrier_id(%barrier3A_20)
    %mul3A_21 = arith.constant 640 : i32
    %mul3A_22 = arith.muli %arg1, %mul3A_21 : i32
    %mul3A_23 = arith.constant 640 : i32
    %mul3A_24 = arith.muli %arg1, %mul3A_23 : i32
    "tpu.region"() ({
      %run_scoped3A = tpu.sem_alloc : memref<!tpu.dma_semaphore, #tpu.memory_space<semaphore_mem>>
      %dma_start3A_25 = arith.constant 0 : i32
      %dma_start3A_26 = tpu.memref_slice %arg6[%arg0, %mul3A_24, %dma_start3A_25] : memref<2x10240x144xf32, #tpu.memory_space<hbm>> -> memref<1x640x144xf32, #tpu.memory_space<hbm>>
      %dma_start3A_27 = tpu.memref_squeeze %dma_start3A_26 : memref<1x640x144xf32, #tpu.memory_space<hbm>> -> memref<640x144xf32, #tpu.memory_space<hbm>>
      %dma_start3A_28 = arith.constant 0 : i32
      %dma_start3A_29 = tpu.memref_slice %arg11[%mul3A_22, %dma_start3A_28] : memref<10240x144xf32, #tpu.memory_space<vmem_shared>> -> memref<640x144xf32, #tpu.memory_space<vmem_shared>>
      tpu.enqueue_dma source(%dma_start3A_29 : memref<640x144xf32, #tpu.memory_space<vmem_shared>>) target(%dma_start3A_27 : memref<640x144xf32, #tpu.memory_space<hbm>>) target_semaphore(%run_scoped3A : memref<!tpu.dma_semaphore, #tpu.memory_space<semaphore_mem>>)
      %dma_wait3A_30 = arith.constant 0 : i32
      %dma_wait3A_31 = tpu.memref_slice %arg6[%arg0, %mul3A_24, %dma_wait3A_30] : memref<2x10240x144xf32, #tpu.memory_space<hbm>> -> memref<1x640x144xf32, #tpu.memory_space<hbm>>
      %dma_wait3A_32 = tpu.memref_squeeze %dma_wait3A_31 : memref<1x640x144xf32, #tpu.memory_space<hbm>> -> memref<640x144xf32, #tpu.memory_space<hbm>>
      %dma_wait3A_33 = arith.constant 0 : i32
      %dma_wait3A_34 = tpu.memref_slice %arg11[%mul3A_22, %dma_wait3A_33] : memref<10240x144xf32, #tpu.memory_space<vmem_shared>> -> memref<640x144xf32, #tpu.memory_space<vmem_shared>>
      tpu.wait_dma2 semaphore(%run_scoped3A : memref<!tpu.dma_semaphore, #tpu.memory_space<semaphore_mem>>) src(%dma_wait3A_34 : memref<640x144xf32, #tpu.memory_space<vmem_shared>>) dst(%dma_wait3A_32 : memref<640x144xf32, #tpu.memory_space<hbm>>)
      tpu.yield
    }) : () -> ()
    return
  }
}

module attributes {stable_mosaic.version = 14 : i64} {
  func.func @_node_proj_body(%arg0: i32, %arg1: memref<1000x128xf32, #tpu.memory_space<vmem>>, %arg2: memref<128x128xf32, #tpu.memory_space<vmem>>, %arg3: memref<1x128xf32, #tpu.memory_space<vmem>>, %arg4: memref<1x128xf32, #tpu.memory_space<vmem>>, %arg5: memref<1x1xf32, #tpu.memory_space<vmem>>, %arg6: memref<1000x128xf32, #tpu.memory_space<vmem>>, %arg7: memref<1000x1xf32, #tpu.memory_space<vmem>>) attributes {dimension_semantics = [#tpu.dimension_semantics<arbitrary>], iteration_bounds = array<i64: 10>, scalar_prefetch = 0 : i64, scratch_operands = 0 : i64, tpu.core_type = #tpu.core_type<tc>, window_params = [{transform_indices = @transform_0, window_bounds = array<i64: 1000, 128>}, {pipeline_mode = #tpu.pipeline_mode<synchronous>, transform_indices = @transform_1, window_bounds = array<i64: 128, 128>}, {pipeline_mode = #tpu.pipeline_mode<synchronous>, transform_indices = @transform_2, window_bounds = array<i64: 1, 128>}, {pipeline_mode = #tpu.pipeline_mode<synchronous>, transform_indices = @transform_3, window_bounds = array<i64: 1, 128>}, {pipeline_mode = #tpu.pipeline_mode<synchronous>, transform_indices = @transform_4, window_bounds = array<i64: 1, 1>}, {transform_indices = @transform_5, window_bounds = array<i64: 1000, 128>}, {transform_indices = @transform_6, window_bounds = array<i64: 1000, 1>}]} {
    %get3A = arith.constant 0 : index
    %get3A_0 = arith.constant 0 : index
    %get3A_1 = vector.load %arg1[%get3A, %get3A_0] : memref<1000x128xf32, #tpu.memory_space<vmem>>, vector<1000x128xf32>
    %get3A_2 = arith.constant 0 : index
    %get3A_3 = arith.constant 0 : index
    %get3A_4 = vector.load %arg2[%get3A_2, %get3A_3] : memref<128x128xf32, #tpu.memory_space<vmem>>, vector<128x128xf32>
    %dot_general3A = arith.constant dense<0.000000e+00> : vector<1000x128xf32>
    %dot_general3A_5 = tpu.matmul %get3A_1, %get3A_4, %dot_general3A {dimension_numbers = #tpu.dot_dimension_numbers<[1], [1], [0], [0], [0, 0, 1, 0], [], []>, transpose_lhs_hint = false} : vector<1000x128xf32>, vector<128x128xf32>, vector<1000x128xf32> -> vector<1000x128xf32>
    %get3A_6 = arith.constant 0 : index
    %get3A_7 = arith.constant 0 : index
    %get3A_8 = vector.load %arg3[%get3A_6, %get3A_7] : memref<1x128xf32, #tpu.memory_space<vmem>>, vector<1x128xf32>
    %add3A = vector.broadcast %get3A_8 : vector<1x128xf32> to vector<1000x128xf32>
    %add3A_9 = arith.addf %dot_general3A_5, %add3A : vector<1000x128xf32>
    %swap3A = arith.constant 0 : index
    %swap3A_10 = arith.constant 0 : index
    %swap3A_11 = vector.load %arg6[%swap3A, %swap3A_10] : memref<1000x128xf32, #tpu.memory_space<vmem>>, vector<1000x128xf32>
    tpu.vector_store %arg6[%swap3A, %swap3A_10], %add3A_9 {strides = array<i32>} : memref<1000x128xf32, #tpu.memory_space<vmem>>, vector<1000x128xf32>,
    %get3A_12 = arith.constant 0 : index
    %get3A_13 = arith.constant 0 : index
    %get3A_14 = vector.load %arg4[%get3A_12, %get3A_13] : memref<1x128xf32, #tpu.memory_space<vmem>>, vector<1x128xf32>
    %mul3A = vector.broadcast %get3A_14 : vector<1x128xf32> to vector<1000x128xf32>
    %mul3A_15 = arith.mulf %get3A_1, %mul3A : vector<1000x128xf32>
    %reduce_sum3A = arith.constant dense<0.000000e+00> : vector<1000xf32>
    %reduce_sum3A_16 = vector.multi_reduction <add>, %mul3A_15, %reduce_sum3A [1] : vector<1000x128xf32> to vector<1000xf32>
    %broadcast_in_dim3A = vector.shape_cast %reduce_sum3A_16 : vector<1000xf32> to vector<1000x1xf32>
    %get3A_17 = arith.constant 0 : index
    %get3A_18 = arith.constant 0 : index
    %get3A_19 = vector.load %arg5[%get3A_17, %get3A_18] : memref<1x1xf32, #tpu.memory_space<vmem>>, vector<1x1xf32>
    %get3A_20 = vector.extract %get3A_19[0, 0] : f32 from vector<1x1xf32>
    %add3A_21 = vector.broadcast %get3A_20 : f32 to vector<1000x1xf32>
    %add3A_22 = arith.addf %broadcast_in_dim3A, %add3A_21 : vector<1000x1xf32>
    %swap3A_23 = arith.constant 0 : index
    %swap3A_24 = arith.constant 0 : index
    %swap3A_25 = vector.load %arg7[%swap3A_23, %swap3A_24] : memref<1000x1xf32, #tpu.memory_space<vmem>>, vector<1000x1xf32>
    tpu.vector_store %arg7[%swap3A_23, %swap3A_24], %add3A_22 {strides = array<i32>} : memref<1000x1xf32, #tpu.memory_space<vmem>>, vector<1000x1xf32>,
    return
  }
  func.func @transform_0(%arg0: i32) -> (i32, i32) {
    %c0_i32 = arith.constant 0 : i32
    %c0_i32_0 = arith.constant 0 : i32
    return %arg0, %c0_i32 : i32, i32
  }
  func.func @transform_1(%arg0: i32) -> (i32, i32) {
    %c0_i32 = arith.constant 0 : i32
    %c0_i32_0 = arith.constant 0 : i32
    %c0_i32_1 = arith.constant 0 : i32
    return %c0_i32, %c0_i32_0 : i32, i32
  }
  func.func @transform_2(%arg0: i32) -> (i32, i32) {
    %c0_i32 = arith.constant 0 : i32
    %c0_i32_0 = arith.constant 0 : i32
    %c0_i32_1 = arith.constant 0 : i32
    return %c0_i32, %c0_i32_0 : i32, i32
  }
  func.func @transform_3(%arg0: i32) -> (i32, i32) {
    %c0_i32 = arith.constant 0 : i32
    %c0_i32_0 = arith.constant 0 : i32
    %c0_i32_1 = arith.constant 0 : i32
    return %c0_i32, %c0_i32_0 : i32, i32
  }
  func.func @transform_4(%arg0: i32) -> (i32, i32) {
    %c0_i32 = arith.constant 0 : i32
    %c0_i32_0 = arith.constant 0 : i32
    %c0_i32_1 = arith.constant 0 : i32
    return %c0_i32, %c0_i32_0 : i32, i32
  }
  func.func @transform_5(%arg0: i32) -> (i32, i32) {
    %c0_i32 = arith.constant 0 : i32
    %c0_i32_0 = arith.constant 0 : i32
    return %arg0, %c0_i32 : i32, i32
  }
  func.func @transform_6(%arg0: i32) -> (i32, i32) {
    %c0_i32 = arith.constant 0 : i32
    %c0_i32_0 = arith.constant 0 : i32
    return %arg0, %c0_i32 : i32, i32
  }
}

module attributes {stable_mosaic.version = 14 : i64} {
  func.func @_table_body(%arg0: i32, %arg1: memref<1024x128xf32, #tpu.memory_space<vmem>>, %arg2: memref<1024x1xf32, #tpu.memory_space<vmem>>, %arg3: memref<1x1xf32, #tpu.memory_space<vmem>>, %arg4: memref<1024x144xf32, #tpu.memory_space<vmem>>) attributes {dimension_semantics = [#tpu.dimension_semantics<arbitrary>], iteration_bounds = array<i64: 10>, scalar_prefetch = 0 : i64, scratch_operands = 0 : i64, tpu.core_type = #tpu.core_type<tc>, window_params = [{transform_indices = @transform_0, window_bounds = array<i64: 1024, 128>}, {transform_indices = @transform_1, window_bounds = array<i64: 1024, 1>}, {pipeline_mode = #tpu.pipeline_mode<synchronous>, transform_indices = @transform_2, window_bounds = array<i64: 1, 1>}, {transform_indices = @transform_3, window_bounds = array<i64: 1024, 144>}]} {
    %get3A = arith.constant 0 : index
    %get3A_0 = arith.constant 0 : index
    %get3A_1 = vector.load %arg1[%get3A, %get3A_0] : memref<1024x128xf32, #tpu.memory_space<vmem>>, vector<1024x128xf32>
    %get3A_2 = arith.constant 0 : index
    %get3A_3 = arith.constant 0 : index
    %get3A_4 = vector.load %arg2[%get3A_2, %get3A_3] : memref<1024x1xf32, #tpu.memory_space<vmem>>, vector<1024x1xf32>
    %mul3A = arith.constant 1024 : i32
    %mul3A_5 = arith.muli %arg0, %mul3A : i32
    %iota3A = tpu.iota {dimensions = array<i32: 0>} : vector<1024x1xi32>
    %add3A = vector.broadcast %mul3A_5 : i32 to vector<1024x1xi32>
    %add3A_6 = arith.addi %add3A, %iota3A : vector<1024x1xi32>
    %lt3A = arith.constant 10000 : i32
    %lt3A_7 = vector.broadcast %lt3A : i32 to vector<1024x1xi32>
    %lt3A_8 = arith.cmpi slt, %add3A_6, %lt3A_7 : vector<1024x1xi32>
    %get3A_9 = arith.constant 0 : index
    %get3A_10 = arith.constant 0 : index
    %get3A_11 = vector.load %arg3[%get3A_9, %get3A_10] : memref<1x1xf32, #tpu.memory_space<vmem>>, vector<1x1xf32>
    %get3A_12 = vector.extract %get3A_11[0, 0] : f32 from vector<1x1xf32>
    %sub3A = vector.broadcast %get3A_12 : f32 to vector<1024x1xf32>
    %sub3A_13 = arith.subf %get3A_4, %sub3A : vector<1024x1xf32>
    %exp3A = math.exp %sub3A_13 : vector<1024x1xf32>
    %jit3A = arith.constant 0.000000e+00 : f32
    %broadcast_in_dim3A = vector.broadcast %jit3A : f32 to vector<1024x1xf32>
    %select_n3A = arith.select %lt3A_8, %exp3A, %broadcast_in_dim3A : vector<1024x1xi1>, vector<1024x1xf32>
    %mul3A_14 = vector.broadcast %select_n3A : vector<1024x1xf32> to vector<1024x128xf32>
    %mul3A_15 = arith.mulf %get3A_1, %mul3A_14 : vector<1024x128xf32>
    %jit3A_16 = arith.constant 0.000000e+00 : f32
    %broadcast_in_dim3A_17 = vector.shape_cast %lt3A_8 : vector<1024x1xi1> to vector<1024x1xi1>
    %broadcast_in_dim3A_18 = vector.broadcast %broadcast_in_dim3A_17 : vector<1024x1xi1> to vector<1024x128xi1>
    %broadcast_in_dim3A_19 = vector.broadcast %jit3A_16 : f32 to vector<1024x128xf32>
    %select_n3A_20 = arith.select %broadcast_in_dim3A_18, %mul3A_15, %broadcast_in_dim3A_19 : vector<1024x128xi1>, vector<1024x128xf32>
    %broadcast_in_dim3A_21 = arith.constant 0.000000e+00 : f32
    %broadcast_in_dim3A_22 = vector.broadcast %broadcast_in_dim3A_21 : f32 to vector<1024x15xf32>
    %concatenate3A = tpu.concatenate %select_n3A, %broadcast_in_dim3A_22 in 1 : vector<1024x1xf32>, vector<1024x15xf32> -> vector<1024x16xf32>
    %concatenate3A_23 = tpu.concatenate %select_n3A_20, %concatenate3A in 1 : vector<1024x128xf32>, vector<1024x16xf32> -> vector<1024x144xf32>
    %swap3A = arith.constant 0 : index
    %swap3A_24 = arith.constant 0 : index
    %swap3A_25 = vector.load %arg4[%swap3A, %swap3A_24] : memref<1024x144xf32, #tpu.memory_space<vmem>>, vector<1024x144xf32>
    tpu.vector_store %arg4[%swap3A, %swap3A_24], %concatenate3A_23 {strides = array<i32>} : memref<1024x144xf32, #tpu.memory_space<vmem>>, vector<1024x144xf32>,
    return
  }
  func.func @transform_0(%arg0: i32) -> (i32, i32) {
    %c0_i32 = arith.constant 0 : i32
    %c0_i32_0 = arith.constant 0 : i32
    return %arg0, %c0_i32 : i32, i32
  }
  func.func @transform_1(%arg0: i32) -> (i32, i32) {
    %c0_i32 = arith.constant 0 : i32
    %c0_i32_0 = arith.constant 0 : i32
    return %arg0, %c0_i32 : i32, i32
  }
  func.func @transform_2(%arg0: i32) -> (i32, i32) {
    %c0_i32 = arith.constant 0 : i32
    %c0_i32_0 = arith.constant 0 : i32
    %c0_i32_1 = arith.constant 0 : i32
    return %c0_i32, %c0_i32_0 : i32, i32
  }
  func.func @transform_3(%arg0: i32) -> (i32, i32) {
    %c0_i32 = arith.constant 0 : i32
    %c0_i32_0 = arith.constant 0 : i32
    return %arg0, %c0_i32 : i32, i32
  }
}

module attributes {stable_mosaic.version = 14 : i64} {
  func.func @_out_body(%arg0: i32, %arg1: memref<2x1000x144xf32, #tpu.memory_space<vmem>>, %arg2: memref<128x128xf32, #tpu.memory_space<vmem>>, %arg3: memref<1x128xf32, #tpu.memory_space<vmem>>, %arg4: memref<1000x128xf32, #tpu.memory_space<vmem>>) attributes {dimension_semantics = [#tpu.dimension_semantics<arbitrary>], iteration_bounds = array<i64: 10>, scalar_prefetch = 0 : i64, scratch_operands = 0 : i64, tpu.core_type = #tpu.core_type<tc>, window_params = [{transform_indices = @transform_0, window_bounds = array<i64: 2, 1000, 144>}, {pipeline_mode = #tpu.pipeline_mode<synchronous>, transform_indices = @transform_1, window_bounds = array<i64: 128, 128>}, {pipeline_mode = #tpu.pipeline_mode<synchronous>, transform_indices = @transform_2, window_bounds = array<i64: 1, 128>}, {transform_indices = @transform_3, window_bounds = array<i64: 1000, 128>}]} {
    %get3A = arith.constant 0 : index
    %get3A_0 = arith.constant 0 : index
    %get3A_1 = arith.constant 0 : index
    %get3A_2 = vector.load %arg1[%get3A, %get3A_0, %get3A_1] : memref<2x1000x144xf32, #tpu.memory_space<vmem>>, vector<2x1000x144xf32>
    %slice3A = vector.extract_strided_slice %get3A_2 {offsets = [0, 0, 0], sizes = [1, 1000, 144], strides = [1, 1, 1]} : vector<2x1000x144xf32> to vector<1x1000x144xf32>
    %squeeze3A = vector.shape_cast %slice3A : vector<1x1000x144xf32> to vector<1000x144xf32>
    %slice3A_3 = vector.extract_strided_slice %get3A_2 {offsets = [1, 0, 0], sizes = [1, 1000, 144], strides = [1, 1, 1]} : vector<2x1000x144xf32> to vector<1x1000x144xf32>
    %squeeze3A_4 = vector.shape_cast %slice3A_3 : vector<1x1000x144xf32> to vector<1000x144xf32>
    %add3A = arith.addf %squeeze3A, %squeeze3A_4 : vector<1000x144xf32>
    %slice3A_5 = vector.extract_strided_slice %add3A {offsets = [0, 0], sizes = [1000, 128], strides = [1, 1]} : vector<1000x144xf32> to vector<1000x128xf32>
    %slice3A_6 = vector.extract_strided_slice %add3A {offsets = [0, 128], sizes = [1000, 16], strides = [1, 1]} : vector<1000x144xf32> to vector<1000x16xf32>
    %reduce_sum3A = arith.constant dense<0.000000e+00> : vector<1000xf32>
    %reduce_sum3A_7 = vector.multi_reduction <add>, %slice3A_6, %reduce_sum3A [1] : vector<1000x16xf32> to vector<1000xf32>
    %broadcast_in_dim3A = vector.shape_cast %reduce_sum3A_7 : vector<1000xf32> to vector<1000x1xf32>
    %add3A_8 = arith.constant 1.000000e-16 : f32
    %add3A_9 = vector.broadcast %add3A_8 : f32 to vector<1000x1xf32>
    %add3A_10 = arith.addf %broadcast_in_dim3A, %add3A_9 : vector<1000x1xf32>
    %div3A = vector.broadcast %add3A_10 : vector<1000x1xf32> to vector<1000x128xf32>
    %div3A_11 = arith.divf %slice3A_5, %div3A : vector<1000x128xf32>
    %get3A_12 = arith.constant 0 : index
    %get3A_13 = arith.constant 0 : index
    %get3A_14 = vector.load %arg2[%get3A_12, %get3A_13] : memref<128x128xf32, #tpu.memory_space<vmem>>, vector<128x128xf32>
    %dot_general3A = arith.constant dense<0.000000e+00> : vector<1000x128xf32>
    %dot_general3A_15 = tpu.matmul %div3A_11, %get3A_14, %dot_general3A {dimension_numbers = #tpu.dot_dimension_numbers<[1], [1], [0], [0], [0, 0, 1, 0], [], []>, transpose_lhs_hint = false} : vector<1000x128xf32>, vector<128x128xf32>, vector<1000x128xf32> -> vector<1000x128xf32>
    %get3A_16 = arith.constant 0 : index
    %get3A_17 = arith.constant 0 : index
    %get3A_18 = vector.load %arg3[%get3A_16, %get3A_17] : memref<1x128xf32, #tpu.memory_space<vmem>>, vector<1x128xf32>
    %add3A_19 = vector.broadcast %get3A_18 : vector<1x128xf32> to vector<1000x128xf32>
    %add3A_20 = arith.addf %dot_general3A_15, %add3A_19 : vector<1000x128xf32>
    %swap3A = arith.constant 0 : index
    %swap3A_21 = arith.constant 0 : index
    %swap3A_22 = vector.load %arg4[%swap3A, %swap3A_21] : memref<1000x128xf32, #tpu.memory_space<vmem>>, vector<1000x128xf32>
    tpu.vector_store %arg4[%swap3A, %swap3A_21], %add3A_20 {strides = array<i32>} : memref<1000x128xf32, #tpu.memory_space<vmem>>, vector<1000x128xf32>,
    return
  }
  func.func @transform_0(%arg0: i32) -> (i32, i32, i32) {
    %c0_i32 = arith.constant 0 : i32
    %c0_i32_0 = arith.constant 0 : i32
    %c0_i32_1 = arith.constant 0 : i32
    return %c0_i32, %arg0, %c0_i32_0 : i32, i32, i32
  }
  func.func @transform_1(%arg0: i32) -> (i32, i32) {
    %c0_i32 = arith.constant 0 : i32
    %c0_i32_0 = arith.constant 0 : i32
    %c0_i32_1 = arith.constant 0 : i32
    return %c0_i32, %c0_i32_0 : i32, i32
  }
  func.func @transform_2(%arg0: i32) -> (i32, i32) {
    %c0_i32 = arith.constant 0 : i32
    %c0_i32_0 = arith.constant 0 : i32
    %c0_i32_1 = arith.constant 0 : i32
    return %c0_i32, %c0_i32_0 : i32, i32
  }
  func.func @transform_3(%arg0: i32) -> (i32, i32) {
    %c0_i32 = arith.constant 0 : i32
    %c0_i32_0 = arith.constant 0 : i32
    return %arg0, %c0_i32 : i32, i32
  }
}

</mosaic_0001>

<sc_bundles>
// kernel: kernel.6.cloned.1.call-start
scs
__scs_entry_jumppad:
0x0: {  	(pc) =	sbr.rel $0x88, $3  }
0x1: {  	(tag) =	ssettag $0x0;
	lr =	simm.s32 $0x1  }
0x2: {  	[smem:$0x3F99] =	sst lr;
	_ =	strace $0xD0000000  }
0x3: {  	_ = 	snop  }
0x4: {  	_ = 	snop  }
0x5: {  	_ = 	snop  }
0x6: {  	_ = 	snop  }
0x7: {  	_ = 	snop  }
__scs_overlays_trampoline_lowered:
0x8: {  	[smem:$0x3FA8] =	sst s0  }
0x9: {  	[smem:$0x3FA9] =	sst s1  }
0xa: {  	[smem:$0x3FAA] =	sst s2  }
0xb: {  	[smem:$0x3FAB] =	sst s3  }
0xc: {  	[smem:$0x3FAC] =	sst s4  }
0xd: {  	[smem:$0x3FAD] =	sst s5  }
0xe: {  	[smem:$0x3FAE] =	sst s6  }
0xf: {  	[smem:$0x3FAF] =	sst s7  }
0x10: {  	[smem:$0x3FB0] =	sst s8  }
0x11: {  	[smem:$0x3FB1] =	sst s9;
	s0 =	simm.s32 @!p0 $0x0  }
0x12: {  	s1 =	sld [smem:$0x3F97];
	s0 =	simm.s32 @p0 $0x1  }
0x13: {  	[smem:$0x3FB2] =	sst s0;
	s0 =	simm.s32 @!p1 $0x0  }
0x14: {  	s2 =	sld [smem:$0x3F96];
	s0 =	simm.s32 @p1 $0x1  }
0x15: {  	[smem:$0x3FB3] =	sst s0;
	s0 =	simm.s32 @!p2 $0x0  }
0x16: {  	s3 =	sld [smem:$0x3FDB];
	s0 =	simm.s32 @p2 $0x1  }
0x17: {  	s4 =	simm.s32 $0x1BF5;
	[smem:$0x3FB5] =	sst s0  }
0x18: {  	s0 =	sld [smem:$0x3F98];
	_ =	swait.ge [sflag:s4], $0x0  }
0x19: {  	s7 =	sld [smem:$0x3F99]  }
0x1a: {  	s8 =	sadd.s32 $0xFFFFE003, lr  }
0x1b: {  	s9 =	sadd.s32 $0xFFFFFEF7, lr;
	s5 =	simm.s32 $0xFFFFFFFF;
	p2 =	slt.u32 s8, $0xFFFFF086  }
0x1c: {  	p1 =	slt.u32 s9, $0xF7A;
	s5 =	simm.s32 @!p2 $0x0  }
0x1d: {  	s5 =	simm.s32 @p1 $0x1;
	p0 =	seq.s32 s7, s2  }
0x1e: {  	s7 =	smul.u32 @!p0 $0xF7A, s2;
	p2 =	seq.s32 @!p0 s5, $0x0  }
0x1f: {  	s9 =	smul.u32 $0xF7A, s1;
	s8 =	simm.s32 @!p0 $0x1BF5;
	p2 =	por !p2, p0  }
0x20: {  	[sflag:s8] =	ssyncset.s32 @!p0 $0xFFFFF086;
	s6 =	sadd.s32 @!p0 s3, s7;
	s7 =	simm.s32 @!p0 $0x108  }
0x21: {  	s3 =	sadd.s32 s3, s9;
	s6 =	sadd.s32 @!p0 $0x88, s6;
	s7 =	simm.s32 @p2 $0x1082  }
0x22: {  	[simem:s7], [sflag:s8] =	dma.local @!p0 [hbm:s6], $0xF7A  }
0x23: {  	s9 =	sor.u32 $0xD0000000, s2;
	s6 =	simm.s32 $0x108;
	_ =	swait.ge @!p0 [sflag:s8], $0x0  }
0x24: {  	s3 =	sadd.s32 $0x88, s3;
	s6 =	simm.s32 @!p1 $0x1082;
	[sflag:s4] =	ssyncset.s32 $0xFFFFF086  }
0x25: {  	[simem:s6], [sflag:s4] =	dma.local [hbm:s3], $0xF7A  }
0x26: {  	[smem:$0x3F99] =	sst s1;
	(tag) =	ssettag s2;
	_ =	strace s9  }
0x27: {  	s1 =	sld [smem:$0x3FA9]  }
0x28: {  	s2 =	sld [smem:$0x3FAA]  }
0x29: {  	s4 =	sld [smem:$0x3FAC]  }
0x2a: {  	p0 =	seq.s32 s5, $0x0;
	s5 =	sld [smem:$0x3FAD]  }
0x2b: {  	s6 =	sld [smem:$0x3FAE]  }
0x2c: {  	s7 =	sld [smem:$0x3FAF]  }
0x2d: {  	s3 =	simm.s32 $0x108;
	s8 =	sld [smem:$0x3FB0]  }
0x2e: {  	s3 =	simm.s32 @!p0 $0x1082;
	s9 =	sld [smem:$0x3FB1]  }
0x2f: {  	lr =	sadd.s32 s0, s3;
	s0 =	sld [smem:$0x3FA8]  }
0x30: {  	s3 =	sld [smem:$0x3FAB]  }
0x31: {  	[smem:$0x3FB4] =	sst s10  }
0x32: {  	s10 =	sld [smem:$0x3FB2];
	_ =	sdelay $0x3  }
0x33: {  	p0 =	seq.s32 s10, $0x1;
	s10 =	sld [smem:$0x3FB4];
	_ =	sdelay $0x3  }
0x34: {  	[smem:$0x3FB4] =	sst s10  }
0x35: {  	s10 =	sld [smem:$0x3FB3];
	_ =	sdelay $0x3  }
0x36: {  	p1 =	seq.s32 s10, $0x1;
	s10 =	sld [smem:$0x3FB4];
	_ =	sdelay $0x3  }
0x37: {  	[smem:$0x3FB4] =	sst s10  }
0x38: {  	s10 =	sld [smem:$0x3FB5]  }
0x39: {  	_ = 	snop;
	(pc) =	sbr.ind lr, $3  }
0x3a: {  	_ = 	snop  }
0x3b: {  	_ = 	snop  }
0x3c: {  	p2 =	seq.s32 s10, $0x1;
	s10 =	sld [smem:$0x3FB4]  }
0x3d: {  	_ =	shalt  }
0x3e: {  	_ =	shalt  }
0x3f: {  	_ =	shalt  }
0x40: {  	_ =	shalt  }
0x41: {  	_ =	shalt  }
0x42: {  	_ =	shalt  }
0x43: {  	_ =	shalt  }
0x44: {  	_ =	shalt  }
0x45: {  	_ =	shalt  }
0x46: {  	_ =	shalt  }
0x47: {  	_ =	shalt  }
0x48: {  	_ =	shalt  }
0x49: {  	_ =	shalt  }
0x4a: {  	_ =	shalt  }
0x4b: {  	_ =	shalt  }
0x4c: {  	_ =	shalt  }
0x4d: {  	_ =	shalt  }
0x4e: {  	_ =	shalt  }
0x4f: {  	_ =	shalt  }
0x50: {  	_ =	shalt  }
0x51: {  	_ =	shalt  }
0x52: {  	_ =	shalt  }
0x53: {  	_ =	shalt  }
0x54: {  	_ =	shalt  }
0x55: {  	_ =	shalt  }
0x56: {  	_ =	shalt  }
0x57: {  	_ =	shalt  }
0x58: {  	_ =	shalt  }
0x59: {  	_ =	shalt  }
0x5a: {  	_ =	shalt  }
0x5b: {  	_ =	shalt  }
0x5c: {  	_ =	shalt  }
0x5d: {  	_ =	shalt  }
0x5e: {  	_ =	shalt  }
0x5f: {  	_ =	shalt  }
0x60: {  	_ =	shalt  }
0x61: {  	_ =	shalt  }
0x62: {  	_ =	shalt  }
0x63: {  	_ =	shalt  }
0x64: {  	_ =	shalt  }
0x65: {  	_ =	shalt  }
0x66: {  	_ =	shalt  }
0x67: {  	_ =	shalt  }
0x68: {  	_ =	shalt  }
0x69: {  	_ =	shalt  }
0x6a: {  	_ =	shalt  }
0x6b: {  	_ =	shalt  }
0x6c: {  	_ =	shalt  }
0x6d: {  	_ =	shalt  }
0x6e: {  	_ =	shalt  }
0x6f: {  	_ =	shalt  }
0x70: {  	_ =	shalt  }
0x71: {  	_ =	shalt  }
0x72: {  	_ =	shalt  }
0x73: {  	_ =	shalt  }
0x74: {  	_ =	shalt  }
0x75: {  	_ =	shalt  }
0x76: {  	_ =	shalt  }
0x77: {  	_ =	shalt  }
0x78: {  	_ =	shalt  }
0x79: {  	_ =	shalt  }
0x7a: {  	_ =	shalt  }
0x7b: {  	_ =	shalt  }
0x7c: {  	_ =	shalt  }
0x7d: {  	_ =	shalt  }
0x7e: {  	_ =	shalt  }
0x7f: {  	_ =	shalt  }
0x80: {  	_ =	shalt  }
0x81: {  	_ =	shalt  }
0x82: {  	_ =	shalt  }
0x83: {  	_ =	shalt  }
0x84: {  	_ =	shalt  }
0x85: {  	_ =	shalt  }
0x86: {  	_ =	shalt  }
0x87: {  	_ =	shalt  }
.Lfunc_end0:
.L_simem_size_0:
called_computation_lowered:
.L_overlay_start_0:
0x88: {  	s2 =	sld [smem:$0x3FD9]  }
0x89: {  	s3 =	sld [smem:$0x3FFE];
	_ =	sdelay $0x1  }
0x8a: {  	s1 =	srdreg.scid  }
0x8b: {  	s0 =	sand.u32 $0x1, s1  }
0x8c: {  	s17 =	sshll.u32 s0, $0xA;
	s2 =	sadd.s32 s3, s2  }
0x8d: {  	s2 =	sadd.s32 s2, s17  }
0x8e: {  	[smem:$0x3FC0] =	sst s2  }
0x8f: {  	_ = 	snop  }
0x90: {  	s2 =	sld [smem:$0x3FD0];
	(tm) =	ssettm $0x1  }
0x91: {  	s18 =	sld [smem:$0x3FFB];
	_ =	sdelay $0x3  }
0x92: {  	_ =	strace s18  }
0x93: {  	s3 =	sld [smem:$0x3FFC];
	_ =	sdelay $0x3  }
0x94: {  	_ =	strace s3  }
0x95: {  	s3 =	sld [smem:$0x3FFD];
	_ =	sdelay $0x3  }
0x96: {  	_ =	strace s3  }
0x97: {  	_ =	strace $0x8FFFFFFF  }
0x98: {  	s19 =	sld [smem:$0x3FDB];
	_ =	sdelay $0x1  }
0x99: {  	s4 =	simm.s32 $_scs_section_size  }
0x9a: {  	s5 =	simm.s32 $_size__tile_overlayer_lowered;
	s6 =	simm.s32 $_tile_overlayer_lowered  }
0x9b: {  	s22 =	simm.s32 $0x1BFF;
	s21 =	sshll.u32 s6, $0x1;
	s3 =	sadd.s32 s4, s19  }
0x9c: {  	s7 =	simm.s32 $0x0;
	s20 =	sshll.u32 s5, $0x1;
	s5 =	sadd.s32 s21, s3  }
0x9d: {  	[timem:s7], [sflag:s22] =	dma.local [hbm:s5], s20  }
0x9e: {  	_ =	swait.ge [sflag:s22], s20  }
0x9f: {  	s4 =	ssub.s32 $0x0, s20;
	[sflag:s22] =	ssyncset.done $0x0  }
0xa0: {  	[sflag:s22] =	ssyncadd.s32 s4;
	_ =	sdelay $0x1  }
0xa1: {  	s23 =	simm.s32 $0x1B8B  }
0xa2: {  	_ =	swait.ge [sflag:s23], $0x1  }
0xa3: {  	[sflag:s23] =	ssyncset.done $0x0  }
0xa4: {  	s25 =	simm.s32 $0x1B8E;
	s24 =	sld [smem:$0x3FFE];
	[sflag:s23] =	ssyncadd.s32 $0xFFFFFFFF  }
0xa5: {  	s26 =	simm.s32 $execute0_lowered;
	[smem:$0x3FD2] =	sst s25  }
0xa6: {  	s5 =	sshll.u32 s26, $0x1;
	_ =	strace $0x80000046;
	[dreg:$0x1] =	wrdreg $0xFFFFFFFF  }
0xa7: {  	s28 =	simm.s32 $_size_execute0_lowered;
	s3 =	sadd.s32 s3, s5;
	[dreg:$0x0] =	wrdreg $0x0  }
0xa8: {  	s5 =	sshll.u32 s28, $0x1;
	[dreg:$0x2] =	wrdreg s3  }
0xa9: {  	[dreg:$0x3] =	wrdreg s5  }
0xaa: {  	[dreg:$0x4] =	wrdreg $0xC0  }
0xab: {  	_ =	task [dreg:s7], $0x5FFFF  }
0xac: {  	[dreg:$0x1] =	wrdreg $0xFFFFFFFF  }
0xad: {  	[dreg:$0x0] =	wrdreg $0x60  }
0xae: {  	[dreg:$0x2] =	wrdreg s24  }
0xaf: {  	[dreg:$0x3] =	wrdreg s2  }
0xb0: {  	[dreg:$0x4] =	wrdreg $0x98000  }
0xb1: {  	[dreg:$0x5] =	wrdreg $0x9  }
0xb2: {  	_ =	task.clear_ibuf [dreg:s7], $0x6FFFF;
	_ =	strace $0x90000046  }
0xb3: {  	s29 =	simm.s32 $0x9;
	_ =	strace $0x80000048  }
0xb4: {  	_ =	swait.ge [sflag:s29], $0x1  }
0xb5: {  	[sflag:s29] =	ssyncadd.s32 $0xFFFFFFFF  }
0xb6: {  	_ =	strace $0x90000048  }
0xb7: {  	_ =	sfence  }
0xb8: {  	s30 =	sld [smem:$0x0];
	_ =	sdelay $0x2  }
0xb9: {  	s31 =	sshll.u32 s1, $0xD;
	s1 =	sshrl.u32 s1, $0x2  }
0xba: {  	s3 =	sand.u32 $0x4000, s31;
	s1 =	sadd.s32 s1, s30  }
0xbb: {  	s0 =	sor.u32 s3, s0;
	s1 =	sshll.u32 s1, $0x11  }
0xbc: {  	s0 =	sor.u32 s1, s0  }
0xbd: {  	s0 =	sadd.s32 $0x8F2B, s0  }
0xbe: {  	[sflag:s0] =	ssyncadd.remote.s32 $0x1  }
0xbf: {  	_ =	sfence.sel $0xFFFF  }
0xc0: {  	[dreg:$0x0] =	wrdreg $0xFFFFFFFF;
	(pc) =	sbr.abs _section_cstart, $3  }
0xc1: {  	[dreg:$0x1] =	wrdreg $0xFFFFFFFF  }
0xc2: {  	_ =	task.clear_ibuf [dreg:s7], $0x2FFFF;
	_ =	strace $0x9FFFFFFF  }
0xc3: {  	(tm) =	ssettm $0x7FFFFFFF  }
tec
execute0_lowered:
.L_overlay_start_1:
0x0: {  	(tag) =	ssettag $0x1  }
0x1: {  	s6 =	rddreg [dreg:$0x0]  }
0x2: {  	s1 =	srdreg.scid;
	s8 =	rddreg [dreg:$0x1]  }
0x3: {  	s0 =	stileid.u32;
	s2 =	rddreg [dreg:$0x2];
	s3 =	simm.s32 $0x0  }
0x4: {  	s16 =	simm.s32 $0x7400;
	s17 =	simm.s32 $0x1;
	s18 =	simm.s32 $0x0  }
0x5: {  	s7 =	sand.u32 $0x1, s1;
	s30 =	sshll.u32 s0, $0x1;
	s10 =	smul.u32 $0x16800, s0  }
0x6: {  	[smem:$0x7FF] =	sst s3;
	s4 =	sadd.s32 $0xA600, s6;
	s13 =	sshll.u32 s0, $0x6  }
0x7: {  	s1 =	sor.u32 s7, s30;
	s5 =	smul.u32 $0x168000, s7;
	s7 =	ssub.s32 $0x2, s7  }
0x8: {  	s9 =	smul.u32 $0x500, s1;
	s1 =	rddreg [dreg:$0x3];
	_ =	strace $0x80000047  }
0x9: {  	s31 =	sshrl.u32 s7, $0x1;
	s15 =	sadd.s32 s10, s2;
	s12 =	sadd.s32 s10, s5  }
0xa: {  	s5 =	sadd.s32 $0x37600, s6;
	s14 =	ssub.s32 s7, s31;
	s11 =	sadd.s32 s9, s6  }
0xb: {  	s12 =	sshrl.u32 s12, $0x3;
	s7 =	sadd.s32 s8, s9;
	s10 =	smax.u32 s14, $0x1  }
0xc: {  	s14 =	simm.s32 $0x40;
	s12 =	sadd.s32 s12, s6;
	s6 =	sor.u32 $0x1C02, s13  }
0xd: {  	s8 =	sadd.s32 $0x600, s11;
	s11 =	sshrl.u32 s15, $0x3;
	s13 =	simm.s32 $0x2800  }
0xe: {  	s15 =	simm.s32 $0x5000;
	s9 =	sadd.s32 $0x3A400, s12;
	s12 =	simm.s32 $0x2  }
.LBB2_1:
0xf: {  	[spmem:s11], [sflag:s6] =	dma.local [hbm:s5], $0x2D00  }
0x10: {  	_ =	swait.ge [sflag:s12], $0x2D00  }
0x11: {  	[sflag:s12] =	ssyncset.done $0x0  }
0x12: {  	[sflag:s12] =	ssyncadd.s32 $0xFFFFD300  }
0x13: {  	[tilespmem:s3], [sflag:$0x2] =	stream.linear.gather [hbm4b:s7+s3], $0x2800, $0x38;
	v63 =	vld [tilespmem:$0x0]  }
0x14: {  	_ =	swait.ge [sflag:s12], $0x2800  }
0x15: {  	[sflag:s12] =	ssyncset.done $0x0  }
0x16: {  	[sflag:s12] =	ssyncadd.s32 $0xFFFFD800  }
0x17: {  	[tilespmem:s13], [sflag:$0x2] =	stream.linear.gather [hbm4b:s8+s3], $0x2800, $0x38;
	v63 =	vld [tilespmem:$0x0]  }
0x18: {  	_ =	swait.ge [sflag:s12], $0x2800  }
0x19: {  	[sflag:s12] =	ssyncset.done $0x0  }
0x1a: {  	[sflag:s12] =	ssyncadd.s32 $0xFFFFD800  }
0x1b: {  	[bflag:$0x0] =	sbarrier.arrive $0xFFFF  }
0x1c: {  	[tilespmem:s15], [sflag:$0x1] =	stream.indirect.gather [hbm4b:s4+s14], $0x90, s3, s14, $0xb8;
	v63 =	vld [tilespmem:$0x0]  }
0x1d: {  	s19 =	simm.s32 $0x2800  }
0x1e: {  	[spmem:s2] =	stream.indirect.scatter.add.f32 [tilespmem:s15], [sflag:$0x2], $0x90, s19, s14, $0xb8;
	v63 =	vld [tilespmem:$0x0]  }
0x1f: {  	_ =	swait.ge [sflag:s12], $0x2400  }
0x20: {  	[sflag:s12] =	ssyncset.done $0x0  }
0x21: {  	s31 =	simm.s32 $0x2840;
	[sflag:s12] =	ssyncadd.s32 $0xFFFFDC00  }
0x22: {  	[spmem:s2] =	stream.indirect.scatter.add.f32 [tilespmem:s16], [sflag:$0x2], $0x90, s31, s14, $0xb8;
	v63 =	vld [tilespmem:$0x0]  }
0x23: {  	_ =	swait.ge [sflag:s12], $0x2400  }
0x24: {  	s20 =	simm.s32 $0x400;
	s19 =	simm.s32 $0x80;
	[sflag:s12] =	ssyncset.done $0x0  }
.LBB2_2:
0x25: {  	s21 =	sadd.s32 $0x2800, s19  }
0x26: {  	[sflag:s12] =	ssyncadd.s32 $0xFFFFDC00;
	s22 =	smov.u32 s20;
	s23 =	sadd.s32 $0x200, s20  }
0x27: {  	[spmem:s2] =	stream.indirect.scatter.add.f32 [tilespmem:s15], [sflag:$0x2], $0x90, s21, s14, $0xb8;
	v63 =	vld [tilespmem:$0x0]  }
0x28: {  	p0 =	sne.s32 s20, $0x9E00;
	_ =	swait.ge [sflag:s12], $0x2400  }
.Ltmp0:
0x29: {  	[sflag:s12] =	ssyncset.done $0x0;
	(pc) =	sbr.rel @p0 .LBB2_2-.Ltmp0, $4  }
0x2a: {  	s19 =	sadd.s32 $0x2840, s19;
	[sflag:s12] =	ssyncadd.s32 $0xFFFFDC00  }
0x2b: {  	[spmem:s2] =	stream.indirect.scatter.add.f32 [tilespmem:s16], [sflag:$0x2], $0x90, s19, s14, $0xb8;
	v63 =	vld [tilespmem:$0x0]  }
0x2c: {  	_ =	swait.ge [sflag:s12], $0x2400  }
0x2d: {  	s20 =	smov.u32 s23;
	s19 =	sshra.s32 s22, $0x2;
	[sflag:s12] =	ssyncset.done $0x0  }
0x2e: {  	s20 =	sadd.s32 $0x2800, s19;
	[sflag:s12] =	ssyncadd.s32 $0xFFFFDC00  }
0x2f: {  	[spmem:s2] =	stream.indirect.scatter.add.f32 [tilespmem:s15], [sflag:$0x2], $0x90, s20, s14, $0xb8;
	v63 =	vld [tilespmem:$0x0]  }
0x30: {  	_ =	swait.ge [sflag:s12], $0x2400  }
0x31: {  	[sflag:s12] =	ssyncset.done $0x0  }
0x32: {  	s31 =	sadd.s32 $0x2840, s19;
	[sflag:s12] =	ssyncadd.s32 $0xFFFFDC00  }
0x33: {  	[spmem:s2] =	stream.indirect.scatter.add.f32 [tilespmem:s16], [sflag:$0x2], $0x90, s31, s14, $0xb8;
	v63 =	vld [tilespmem:$0x0]  }
0x34: {  	_ =	swait.ge [sflag:s12], $0x2400  }
0x35: {  	[sflag:s12] =	ssyncset.done $0x0  }
0x36: {  	[sflag:s12] =	ssyncadd.s32 $0xFFFFDC00  }
0x37: {  	_ =	swait.ge [sflag:s17], $0x2400  }
0x38: {  	s18 =	sadd.s32 $0x1, s18;
	[sflag:s17] =	ssyncset.done $0x0  }
0x39: {  	p0 =	sne.s32 s18, s10;
	[sflag:s17] =	ssyncadd.s32 $0xFFFFDC00  }
.Ltmp1:
0x3a: {  	[bflag:$0x0] =	sbarrier.arrive $0xFFFF;
	(pc) =	sbr.rel @p0 .LBB2_1-.Ltmp1, $4  }
0x3b: {  	[hbm:s9], [sflag:s6] =	dma.local [spmem:s11], $0x2D00  }
0x3c: {  	_ =	swait.ge [sflag:s12], $0x2D00  }
0x3d: {  	[sflag:s12] =	ssyncset.done $0x0  }
0x3e: {  	[sflag:s12] =	ssyncadd.s32 $0xFFFFD300  }
0x3f: {  	_ =	sfence.sel $0x180000  }
0x40: {  	[bflag:$0x0] =	sbarrier.arrive $0xFFFF  }
0x41: {  	p0 =	sne.s32 s0, $0x0;
	_ =	strace $0x90000047  }
0x42: {  	s0 =	sadd.s32 @!p0 $0x100000, s1;
	[bflag:$0x2] =	sbarrier.arrive $0xFFFF  }
0x43: {  	[sflag:s0] =	ssyncadd.tile.s32 @!p0 $0x1;
	_ =	shalt  }
.Lfunc_end2:
_tile_overlayer_lowered:
.L_overlay_start_2:
0x44: {  	(tag) =	ssettag $0x2  }
0x45: {  	s0 =	rddreg [dreg:$0x0];
	s2 =	stileid.u32  }
0x46: {  	s1 =	rddreg [dreg:$0x1];
	p0 =	sne.s32 s2, $0x0  }
0x47: {  	s3 =	rddreg [dreg:$0x2];
	[bflag:$0x3] =	sbarrier.arrive $0xFFFF;
	s2 =	simm.s32 @!p0 $0x1C02  }
0x48: {  	[timem:s3], [sflag:s2] =	dma.local @!p0 [hbm:s0], s1  }
0x49: {  	s0 =	simm.s32 @!p0 $0x2  }
0x4a: {  	_ =	swait.ge @!p0 [sflag:s0], s1  }
0x4b: {  	s1 =	ssub.s32 @!p0 $0x0, s1;
	[sflag:s0] =	ssyncset.done @!p0 $0x0  }
0x4c: {  	[sflag:s0] =	ssyncadd.s32 @!p0 s1  }
0x4d: {  	[bflag:$0x3] =	sbarrier.arrive $0xFFFF  }
0x4e: {  	_ =	shalt  }

</sc_bundles>
